<compile_context>
chip_gen: v7x
topology: tpu7x:2x2x1
jax: 0.10.2.dev20260603
libtpu: 0.0.44.dev20260713+nightly
codegen_flags: <defaults>
</compile_context>

<pallas_src>
import functools
import math

import numpy as _np

import jax
import jax.numpy as jnp
from jax import lax
from jax.experimental import pallas as pl
from jax.experimental.pallas import tpu as pltpu
from jax.experimental.pallas import tpu_sc as plsc

_CONTRACT_T = (((1,), (1,)), ((), ()))


def _bf(x):
    return x.astype(jnp.bfloat16)


def _embed_gather(emb, ids):
    S = ids.shape[0]
    D = emb.shape[1]
    info = plsc.get_sparse_core_info()
    nw = info.num_cores * info.num_subcores
    b_per_w = S // nw
    mesh = plsc.VectorSubcoreMesh(core_axis_name="c", subcore_axis_name="s")

    @functools.partial(
        pl.kernel,
        mesh=mesh,
        out_type=jax.ShapeDtypeStruct((S, D), jnp.float32),
        scratch_types=[
            pltpu.VMEM((b_per_w,), jnp.int32),
            pltpu.VMEM((b_per_w, D), jnp.float32),
            pltpu.SemaphoreType.DMA,
        ],
    )
    def k(emb_hbm, idx_hbm, out_hbm, idx_v, rows_v, sem):
        wid = lax.axis_index("s") * info.num_cores + lax.axis_index("c")
        base = wid * b_per_w
        pltpu.sync_copy(idx_hbm.at[pl.ds(base, b_per_w)], idx_v)
        pltpu.async_copy(emb_hbm.at[idx_v], rows_v, sem).wait()
        pltpu.sync_copy(rows_v, out_hbm.at[pl.ds(base, b_per_w)])

    return k(emb, ids)


def _gelu(x):
    return 0.5 * x * (1.0 + lax.erf(x * (1.0 / math.sqrt(2.0))))


def _moe_body(nx_ref, sel_ref, w1_ref, b1_ref, w2_ref, b2_ref, hres_ref,
              o_ref, cnt_ref, aux_ref, *, tb, nE, nF, nT, target):
    e = pl.program_id(0)
    fc = pl.program_id(1)
    t = pl.program_id(2)

    @pl.when((e == 0) & (fc == 0) & (t == 0))
    def _():
        o_ref[...] = hres_ref[...]
        cnt_ref[...] = jnp.zeros_like(cnt_ref)

    sel = sel_ref[...]

    @pl.when((e == 0) & (fc == 0))
    def _():
        iota8 = lax.broadcasted_iota(jnp.int32, (1, cnt_ref.shape[1]), 1)
        c = jnp.sum((sel[:, 0:1] == iota8).astype(jnp.float32), axis=0,
                    keepdims=True)
        c += jnp.sum((sel[:, 1:2] == iota8).astype(jnp.float32), axis=0,
                     keepdims=True)
        cnt_ref[...] += c

        @pl.when(t == nT - 1)
        def _():
            d = cnt_ref[...] - target
            aux_ref[...] = (jnp.sum(d * d, axis=1, keepdims=True)
                            * (0.01 / cnt_ref.shape[1]))

    x = _bf(nx_ref[...])
    hid = lax.dot_general(x, _bf(w1_ref[0, 0]), _CONTRACT_T,
                          preferred_element_type=jnp.float32) + b1_ref[0]
    hid = _gelu(hid)
    y = lax.dot_general(_bf(hid), _bf(w2_ref[0, 0]), _CONTRACT_T,
                        preferred_element_type=jnp.float32)
    y = y + jnp.where(fc == 0, 1.0, 0.0) * b2_ref[0]
    mcol = jnp.sum((sel == e).astype(jnp.float32), axis=1, keepdims=True)
    o_ref[pl.ds(t * tb, tb), :] += mcol * y


def _moe(nx, sel, f1w, f1b, f2w, f2b, hres, tb, fchunks):
    S, D = nx.shape
    E = f1w.shape[1]
    F = f1w.shape[2]
    fcs = F // fchunks
    f1b = f1b.reshape(E, 1, F)
    f2b = f2b.reshape(E, 1, D)
    return pl.pallas_call(
        functools.partial(_moe_body, tb=tb, nE=E, nF=fchunks, nT=S // tb,
                          target=S / E),
        grid=(E, fchunks, S // tb),
        in_specs=[
            pl.BlockSpec((tb, D), lambda e, f, t: (t, 0)),
            pl.BlockSpec((tb, 2), lambda e, f, t: (t, 0)),
            pl.BlockSpec((1, 1, fcs, D), lambda e, f, t: (0, e, f, 0)),
            pl.BlockSpec((1, 1, fcs), lambda e, f, t: (e, 0, f)),
            pl.BlockSpec((1, 1, D, fcs), lambda e, f, t: (0, e, 0, f)),
            pl.BlockSpec((1, 1, D), lambda e, f, t: (e, 0, 0)),
            pl.BlockSpec((S, D), lambda e, f, t: (0, 0)),
        ],
        out_specs=[
            pl.BlockSpec((S, D), lambda e, f, t: (0, 0)),
            pl.BlockSpec((1, E), lambda e, f, t: (0, 0)),
            pl.BlockSpec((1, 1), lambda e, f, t: (0, 0)),
        ],
        out_shape=[
            jax.ShapeDtypeStruct((S, D), jnp.float32),
            jax.ShapeDtypeStruct((1, E), jnp.float32),
            jax.ShapeDtypeStruct((1, 1), jnp.float32),
        ],
    )(nx, sel, f1w, f1b, f2w, f2b, hres)


def _lm_body(h_ref, w_ref, b_ref, o_ref, *, tb):
    t = pl.program_id(1)
    x = _bf(h_ref[pl.ds(t * tb, tb), :])
    o_ref[...] = (
        lax.dot_general(x, _bf(w_ref[...]), _CONTRACT_T,
                        preferred_element_type=jnp.float32)
        + b_ref[...]
    )


def _lm_head(h, w, b, tb, vb):
    S, D = h.shape
    V = w.shape[0]
    return pl.pallas_call(
        functools.partial(_lm_body, tb=tb),
        grid=(V // vb, S // tb),
        in_specs=[
            pl.BlockSpec((S, D), lambda v, t: (0, 0)),
            pl.BlockSpec((vb, D), lambda v, t: (v, 0)),
            pl.BlockSpec((1, vb), lambda v, t: (0, v)),
        ],
        out_specs=pl.BlockSpec((tb, vb), lambda v, t: (t, v)),
        out_shape=jax.ShapeDtypeStruct((S, V), jnp.float32),
    )(h, w, b)


def kernel(input_ids, emb, n1w, n1b, n2w, n2b, in_w, in_b, out_w, out_b,
           rw, rb, f1w, f1b, f2w, f2b, lm_w, lm_b):
    Bz, S = input_ids.shape
    V, D = emb.shape
    H = 8
    hd = D // H

    ids = input_ids.reshape(-1).astype(jnp.int32)

    h0 = _embed_gather(emb, ids)

    def _ln(x, w, b):
        m = x.mean(-1, keepdims=True)
        v = x.var(-1, keepdims=True)
        return (x - m) / jnp.sqrt(v + 1e-5) * w + b

    h = h0.reshape(Bz, S, D)
    nx = _ln(h, n1w[0], n1b[0])
    qkv = nx @ in_w[0].T + in_b[0]
    q, k, v = jnp.split(qkv, 3, axis=-1)

    def sp(z):
        return z.reshape(Bz, S, H, hd).transpose(0, 2, 1, 3)

    q, k, v = sp(q), sp(k), sp(v)
    a = jax.nn.softmax(
        (q @ k.transpose(0, 1, 3, 2)) / jnp.sqrt(jnp.float32(hd)), axis=-1)
    o = (a @ v).transpose(0, 2, 1, 3).reshape(Bz, S, D)
    h = h + o @ out_w[0].T + out_b[0]
    nx2 = _ln(h, n2w[0], n2b[0])
    flat = nx2.reshape(-1, D)
    rlog = flat @ rw[0].T + rb[0]
    _, sel = jax.lax.top_k(rlog, 2)

    hfin, _cnt, aux = _moe(flat, sel, f1w, f1b, f2w, f2b,
                           h.reshape(S, D), 512, fchunks=2)
    logits = _lm_head(hfin, lm_w, lm_b.reshape(1, V), 256, 3200)

    return logits.reshape(Bz, S, V), aux[0, 0]

# --- scband reference (transcript-rebuilt; emitter-appended) ---
"""Pipeline reference for scband-mock-mo-emodel-6562710028723 (READ-ONLY COPY).

The authoritative reference and input builder live on the scoring server;
editing this copy changes nothing except your own understanding.
"""

import jax, jax.numpy as jnp
import numpy as np

V = 32000; D = 768; F = 3072; E = 8; K = 2; L = 1; B = 1; S = 2048; H = 8

def _ln(x, w, b):
    m = x.mean(-1, keepdims=True)
    v = x.var(-1, keepdims=True)
    return (x - m) / jnp.sqrt(v + 1e-5) * w + b

def _mha(x, in_w, in_b, out_w, out_b):
    b, t, d = x.shape
    hd = d // H
    qkv = x @ in_w.T + in_b
    q, k, v = jnp.split(qkv, 3, axis=-1)
    def sp(z):
        return z.reshape(b, t, H, hd).transpose(0, 2, 1, 3)
    q, k, v = sp(q), sp(k), sp(v)
    a = jax.nn.softmax((q @ k.transpose(0, 1, 3, 2)) / jnp.sqrt(jnp.float32(hd)), axis=-1)
    o = (a @ v).transpose(0, 2, 1, 3).reshape(b, t, d)
    return o @ out_w.T + out_b

def _forward(input_ids, emb, n1w, n1b, n2w, n2b, in_w, in_b, out_w, out_b, rw, rb, f1w, f1b, f2w, f2b, lm_w, lm_b):
    h = emb[input_ids]
    total_aux = jnp.float32(0.0)
    for l in range(L):
        nx = _ln(h, n1w[l], n1b[l])
        h = h + _mha(nx, in_w[l], in_b[l], out_w[l], out_b[l])
        nx = _ln(h, n2w[l], n2b[l])
        flat = nx.reshape(-1, D)
        rlog = flat @ rw[l].T + rb[l]
        top_v, sel = jax.lax.top_k(rlog, K)
        routing_weights = jax.nn.softmax(top_v, axis=-1)  # computed but unused downstream, matching torch code
        out = jnp.zeros_like(flat)
        for i in range(E):
            mask = (sel == i).any(axis=-1)
            eo = jax.nn.gelu(flat @ f1w[l, i].T + f1b[l, i], approximate=False) @ f2w[l, i].T + f2b[l, i]
            out = out + jnp.where(mask[:, None], eo, 0.0)
        counts = jnp.bincount(sel.reshape(-1), length=E).astype(jnp.float32)
        target = flat.shape[0] / E
        total_aux = total_aux + ((counts - target) ** 2).mean() * 0.01
        h = h + out.reshape(h.shape)
    logits = h @ lm_w.T + lm_b
    return logits, total_aux

def setup_inputs(seed: int = 0):
    key = jax.random.key(seed)
    ks = jax.random.split(key, 10)
    return {
        "input_ids": jax.random.randint(ks[0], (B, S), 0, V),
        "emb": (jax.random.normal(ks[1], (V, D)) * 0.02).astype(jnp.float32),
        "n1w": jnp.ones((L, D), jnp.float32),
        "n1b": jnp.zeros((L, D), jnp.float32),
        "n2w": jnp.ones((L, D), jnp.float32),
        "n2b": jnp.zeros((L, D), jnp.float32),
        "in_w": (jax.random.normal(ks[2], (L, 3 * D, D)) * 0.02).astype(jnp.float32),
        "in_b": jnp.zeros((L, 3 * D), jnp.float32),
        "out_w": (jax.random.normal(ks[3], (L, D, D)) * 0.02).astype(jnp.float32),
        "out_b": jnp.zeros((L, D), jnp.float32),
        "rw": (jax.random.normal(ks[4], (L, E, D)) * 0.02).astype(jnp.float32),
        "rb": jnp.zeros((L, E), jnp.float32),
        "f1w": (jax.random.normal(ks[5], (L, E, F, D)) * 0.02).astype(jnp.float32),
        "f1b": jnp.zeros((L, E, F), jnp.float32),
        "f2w": (jax.random.normal(ks[6], (L, E, D, F)) * 0.02).astype(jnp.float32),
        "f2b": jnp.zeros((L, E, D), jnp.float32),
        "lm_w": (jax.random.normal(ks[7], (V, D)) * 0.02).astype(jnp.float32),
        "lm_b": jnp.zeros((V,), jnp.float32),
    }

def reference(input_ids, emb, n1w, n1b, n2w, n2b, in_w, in_b, out_w, out_b, rw, rb, f1w, f1b, f2w, f2b, lm_w, lm_b):
    return _forward(input_ids, emb, n1w, n1b, n2w, n2b, in_w, in_b, out_w, out_b, rw, rb, f1w, f1b, f2w, f2b, lm_w, lm_b)

if __name__ == "__main__":
    import jax
    _d = setup_inputs()
    print(jax.jit(kernel)(*tuple(_d.values())))

</pallas_src>

<mosaic_0001>
#map = affine_map<(d0, d1) -> (0, 0)>
#map1 = affine_map<(d0, d1) -> (0)>
module attributes {stable_mosaic.version = 14 : i64} {
  func.func @k(%arg0: i32, %arg1: i32, %arg2: memref<32000x768xf32, #tpu.memory_space<hbm>>, %arg3: memref<2048xi32, #tpu.memory_space<hbm>>, %arg4: memref<2048x768xf32, #tpu.memory_space<hbm>>, %arg5: memref<64xi32, #tpu.memory_space<vmem>>, %arg6: memref<64x768xf32, #tpu.memory_space<vmem>>, %arg7: memref<!tpu.dma_semaphore, #tpu.memory_space<semaphore_mem>>) attributes {dimension_semantics = [#tpu.dimension_semantics<core_parallel>, #tpu.dimension_semantics<subcore_parallel>], iteration_bounds = array<i64: 2, 16>, scalar_prefetch = 0 : i64, scratch_operands = 3 : i64, tpu.core_type = #tpu.core_type<sc_vector_subcore>, window_params = [{transform_indices = #map}, {transform_indices = #map1}, {transform_indices = #map}]} {
    %mul3A = arith.constant 2 : i32
    %mul3A_0 = arith.muli %arg1, %mul3A : i32
    %add3A = arith.addi %mul3A_0, %arg0 : i32
    %mul3A_1 = arith.constant 64 : i32
    %mul3A_2 = arith.muli %add3A, %mul3A_1 : i32
    "tpu.region"() ({
      %run_scoped3A = tpu.sem_alloc : memref<!tpu.dma_semaphore, #tpu.memory_space<semaphore_mem>>
      %dma_start3A_7 = tpu.memref_slice %arg3[%mul3A_2] : memref<2048xi32, #tpu.memory_space<hbm>> -> memref<64xi32, #tpu.memory_space<hbm>>
      %dma_start3A_8 = tpu.memref_slice %arg3[%mul3A_2] : memref<2048xi32, #tpu.memory_space<hbm>> -> memref<64xi32, #tpu.memory_space<hbm>>
      tpu.enqueue_dma source(%dma_start3A_8 : memref<64xi32, #tpu.memory_space<hbm>>) target(%arg5 : memref<64xi32, #tpu.memory_space<vmem>>) target_semaphore(%run_scoped3A : memref<!tpu.dma_semaphore, #tpu.memory_space<semaphore_mem>>)
      %dma_wait3A_9 = tpu.memref_slice %arg3[%mul3A_2] : memref<2048xi32, #tpu.memory_space<hbm>> -> memref<64xi32, #tpu.memory_space<hbm>>
      %dma_wait3A_10 = tpu.memref_slice %arg3[%mul3A_2] : memref<2048xi32, #tpu.memory_space<hbm>> -> memref<64xi32, #tpu.memory_space<hbm>>
      tpu.wait_dma2 semaphore(%run_scoped3A : memref<!tpu.dma_semaphore, #tpu.memory_space<semaphore_mem>>) src(%dma_wait3A_10 : memref<64xi32, #tpu.memory_space<hbm>>) dst(%arg5 : memref<64xi32, #tpu.memory_space<vmem>>)
      tpu.yield
    }) : () -> ()
    %dma_start3A = arith.constant 0 : i32
    %dma_start3A_3 = arith.constant 0 : i32
    %dma_start3A_4 = tpu.memref_slice %arg2[%dma_start3A, %dma_start3A_3] : memref<32000x768xf32, #tpu.memory_space<hbm>> -> memref<32000x768xf32, #tpu.memory_space<hbm>>
    tpu.enqueue_indirect_dma source(%dma_start3A_4 : memref<32000x768xf32, #tpu.memory_space<hbm>>) target(%arg6 : memref<64x768xf32, #tpu.memory_space<vmem>>) offsets(%arg5 : memref<64xi32, #tpu.memory_space<vmem>>) semaphore(%arg7 : memref<!tpu.dma_semaphore, #tpu.memory_space<semaphore_mem>>)
    %dma_wait3A = arith.constant 0 : i32
    %dma_wait3A_5 = arith.constant 0 : i32
    %dma_wait3A_6 = tpu.memref_slice %arg2[%dma_wait3A, %dma_wait3A_5] : memref<32000x768xf32, #tpu.memory_space<hbm>> -> memref<32000x768xf32, #tpu.memory_space<hbm>>
    tpu.wait_indirect_dma semaphore(%arg7 : memref<!tpu.dma_semaphore, #tpu.memory_space<semaphore_mem>>) src(%dma_wait3A_6 : memref<32000x768xf32, #tpu.memory_space<hbm>>) dst(%arg6 : memref<64x768xf32, #tpu.memory_space<vmem>>)
    "tpu.region"() ({
      %run_scoped3A = tpu.sem_alloc : memref<!tpu.dma_semaphore, #tpu.memory_space<semaphore_mem>>
      %dma_start3A_7 = arith.constant 0 : i32
      %dma_start3A_8 = tpu.memref_slice %arg4[%mul3A_2, %dma_start3A_7] : memref<2048x768xf32, #tpu.memory_space<hbm>> -> memref<64x768xf32, #tpu.memory_space<hbm>>
      %dma_start3A_9 = arith.constant 0 : i32
      %dma_start3A_10 = tpu.memref_slice %arg4[%mul3A_2, %dma_start3A_9] : memref<2048x768xf32, #tpu.memory_space<hbm>> -> memref<64x768xf32, #tpu.memory_space<hbm>>
      tpu.enqueue_dma source(%arg6 : memref<64x768xf32, #tpu.memory_space<vmem>>) target(%dma_start3A_10 : memref<64x768xf32, #tpu.memory_space<hbm>>) target_semaphore(%run_scoped3A : memref<!tpu.dma_semaphore, #tpu.memory_space<semaphore_mem>>)
      %dma_wait3A_11 = arith.constant 0 : i32
      %dma_wait3A_12 = tpu.memref_slice %arg4[%mul3A_2, %dma_wait3A_11] : memref<2048x768xf32, #tpu.memory_space<hbm>> -> memref<64x768xf32, #tpu.memory_space<hbm>>
      %dma_wait3A_13 = arith.constant 0 : i32
      %dma_wait3A_14 = tpu.memref_slice %arg4[%mul3A_2, %dma_wait3A_13] : memref<2048x768xf32, #tpu.memory_space<hbm>> -> memref<64x768xf32, #tpu.memory_space<hbm>>
      tpu.wait_dma2 semaphore(%run_scoped3A : memref<!tpu.dma_semaphore, #tpu.memory_space<semaphore_mem>>) src(%arg6 : memref<64x768xf32, #tpu.memory_space<vmem>>) dst(%dma_wait3A_14 : memref<64x768xf32, #tpu.memory_space<hbm>>)
      tpu.yield
    }) : () -> ()
    return
  }
}

module {
  func.func @main(%arg0: i32, %arg1: i32, %arg2: i32, %arg3: memref<1x1024x1024xf32, #tpu.memory_space<vmem>>, %arg4: memref<1x1024x96xf32, #tpu.memory_space<vmem>>, %arg5: memref<1x1024x96xf32, #tpu.memory_space<vmem>>, %arg6: memref<1x1024x1xf32, #tpu.memory_space<vmem>>, %arg7: memref<1x1024x1xf32, #tpu.memory_space<vmem>>) attributes {dimension_semantics = [#tpu.dimension_semantics<parallel>, #tpu.dimension_semantics<parallel>, #tpu.dimension_semantics<arbitrary>], iteration_bounds = array<i64: 8, 2, 2>, scratch_operands = 2 : i64, window_params = [{transform_indices = @qk_fn, window_bounds = array<i64: 1, 1024, 1024>}, {transform_indices = @v_fn, window_bounds = array<i64: 1, 1024, 96>}, {transform_indices = @oi_fn, window_bounds = array<i64: 1, 1024, 96>}]} {
    %c0 = arith.constant 0 : index
    %c0_i32 = arith.constant 0 : i32
    %0 = arith.cmpi eq, %c0_i32, %arg2 : i32
    scf.if %0 {
      %cst_3 = arith.constant dense<0.000000e+00> : vector<1x1024x96xf32>
      vector.store %cst_3, %arg5[%c0, %c0, %c0] : memref<1x1024x96xf32, #tpu.memory_space<vmem>>, vector<1x1024x96xf32>
      %cst_4 = arith.constant dense<0xFF800000> : vector<1x1024x1xf32>
      vector.store %cst_4, %arg6[%c0, %c0, %c0] : memref<1x1024x1xf32, #tpu.memory_space<vmem>>, vector<1x1024x1xf32>
      %cst_5 = arith.constant dense<0.000000e+00> : vector<1x1024x1xf32>
      vector.store %cst_5, %arg7[%c0, %c0, %c0] : memref<1x1024x1xf32, #tpu.memory_space<vmem>>, vector<1x1024x1xf32>
    }
    %1 = vector.load %arg3[%c0, %c0, %c0] : memref<1x1024x1024xf32, #tpu.memory_space<vmem>>, vector<1x1024x1024xf32>
    %cst = arith.constant dense<0xFF800000> : vector<1x1024xf32>
    %2 = vector.multi_reduction <maximumf>, %1, %cst [2] : vector<1x1024x1024xf32> to vector<1x1024xf32>
    %3 = vector.shape_cast %2 : vector<1x1024xf32> to vector<1x1024x1xf32>
    %4 = vector.load %arg6[%c0, %c0, %c0] : memref<1x1024x1xf32, #tpu.memory_space<vmem>>, vector<1x1024x1xf32>
    %5 = arith.maximumf %4, %3 : vector<1x1024x1xf32>
    %cst_0 = arith.constant dense<0.000000e+00> : vector<1x1024x1xf32>
    %6 = arith.cmpf oeq, %4, %5 : vector<1x1024x1xf32>
    %7 = arith.subf %4, %5 : vector<1x1024x1xf32>
    %8 = arith.select %6, %cst_0, %7 : vector<1x1024x1xi1>, vector<1x1024x1xf32>
    %9 = vector.broadcast %5 : vector<1x1024x1xf32> to vector<1x1024x1024xf32>
    %10 = arith.subf %1, %9 : vector<1x1024x1024xf32>
    %11 = math.exp %10 : vector<1x1024x1024xf32>
    %cst_1 = arith.constant dense<0.000000e+00> : vector<1x1024xf32>
    %12 = vector.multi_reduction <add>, %11, %cst_1 [2] : vector<1x1024x1024xf32> to vector<1x1024xf32>
    %13 = vector.shape_cast %12 : vector<1x1024xf32> to vector<1x1024x1xf32>
    %14 = vector.load %arg7[%c0, %c0, %c0] : memref<1x1024x1xf32, #tpu.memory_space<vmem>>, vector<1x1024x1xf32>
    %15 = math.exp %8 : vector<1x1024x1xf32>
    %16 = arith.mulf %15, %14 : vector<1x1024x1xf32>
    %17 = arith.addf %16, %13 : vector<1x1024x1xf32>
    %18 = vector.load %arg5[%c0, %c0, %c0] : memref<1x1024x96xf32, #tpu.memory_space<vmem>>, vector<1x1024x96xf32>
    %19 = math.exp %8 : vector<1x1024x1xf32>
    %20 = arith.mulf %19, %14 : vector<1x1024x1xf32>
    %21 = vector.broadcast %20 : vector<1x1024x1xf32> to vector<1x1024x96xf32>
    %22 = arith.mulf %21, %18 : vector<1x1024x96xf32>
    %23 = vector.load %arg4[%c0, %c0, %c0] : memref<1x1024x96xf32, #tpu.memory_space<vmem>>, vector<1x1024x96xf32>
    %24 = vector.shape_cast %23 : vector<1x1024x96xf32> to vector<1024x96xf32>
    %25 = vector.shape_cast %11 : vector<1x1024x1024xf32> to vector<1024x1024xf32>
    %26 = vector.shape_cast %22 : vector<1x1024x96xf32> to vector<1024x96xf32>
    %27 = tpu.matmul %25, %24, %26 {dimension_numbers = #tpu.dot_dimension_numbers<[1], [0], [0], [1], [0, 0, 1, 1], [], []>, precision = #tpu.contract_precision<bf16>, transpose_lhs_hint = false} : vector<1024x1024xf32>, vector<1024x96xf32>, vector<1024x96xf32> -> vector<1024x96xf32>
    %28 = vector.shape_cast %27 : vector<1024x96xf32> to vector<1x1024x96xf32>
    %cst_2 = arith.constant dense<1.000000e+00> : vector<1x1024x1xf32>
    %29 = arith.divf %cst_2, %17 : vector<1x1024x1xf32>
    %30 = vector.broadcast %29 : vector<1x1024x1xf32> to vector<1x1024x96xf32>
    %31 = arith.mulf %28, %30 : vector<1x1024x96xf32>
    %32 = vector.shape_cast %31 : vector<1x1024x96xf32> to vector<1x1024x96xf32>
    vector.store %32, %arg5[%c0, %c0, %c0] : memref<1x1024x96xf32, #tpu.memory_space<vmem>>, vector<1x1024x96xf32>
    vector.store %5, %arg6[%c0, %c0, %c0] : memref<1x1024x1xf32, #tpu.memory_space<vmem>>, vector<1x1024x1xf32>
    vector.store %17, %arg7[%c0, %c0, %c0] : memref<1x1024x1xf32, #tpu.memory_space<vmem>>, vector<1x1024x1xf32>
    return
  }
  func.func @qk_fn(%arg0: i32, %arg1: i32, %arg2: i32) -> (i32, i32, i32) {
    return %arg0, %arg1, %arg2 : i32, i32, i32
  }
  func.func @v_fn(%arg0: i32, %arg1: i32, %arg2: i32) -> (i32, i32, i32) {
    %c0_i32 = arith.constant 0 : i32
    return %arg0, %arg2, %c0_i32 : i32, i32, i32
  }
  func.func @oi_fn(%arg0: i32, %arg1: i32, %arg2: i32) -> (i32, i32, i32) {
    %c0_i32 = arith.constant 0 : i32
    return %arg0, %arg1, %c0_i32 : i32, i32, i32
  }
}

module attributes {stable_mosaic.version = 14 : i64} {
  func.func @_moe_body(%arg0: i32, %arg1: i32, %arg2: i32, %arg3: memref<512x768xf32, #tpu.memory_space<vmem>>, %arg4: memref<512x2xi32, #tpu.memory_space<vmem>>, %arg5: memref<1x1x1536x768xf32, #tpu.memory_space<vmem>>, %arg6: memref<1x1x1536xf32, #tpu.memory_space<vmem>>, %arg7: memref<1x1x768x1536xf32, #tpu.memory_space<vmem>>, %arg8: memref<1x1x768xf32, #tpu.memory_space<vmem>>, %arg9: memref<2048x768xf32, #tpu.memory_space<vmem>>, %arg10: memref<2048x768xf32, #tpu.memory_space<vmem>>, %arg11: memref<1x8xf32, #tpu.memory_space<vmem>>, %arg12: memref<1x1xf32, #tpu.memory_space<vmem>>) attributes {dimension_semantics = [#tpu.dimension_semantics<arbitrary>, #tpu.dimension_semantics<arbitrary>, #tpu.dimension_semantics<arbitrary>], iteration_bounds = array<i64: 8, 2, 4>, scalar_prefetch = 0 : i64, scratch_operands = 0 : i64, tpu.core_type = #tpu.core_type<tc>, window_params = [{transform_indices = @transform_0, window_bounds = array<i64: 512, 768>}, {transform_indices = @transform_1, window_bounds = array<i64: 512, 2>}, {transform_indices = @transform_2, window_bounds = array<i64: 1, 1, 1536, 768>}, {transform_indices = @transform_3, window_bounds = array<i64: 1, 1, 1536>}, {transform_indices = @transform_4, window_bounds = array<i64: 1, 1, 768, 1536>}, {transform_indices = @transform_5, window_bounds = array<i64: 1, 1, 768>}, {pipeline_mode = #tpu.pipeline_mode<synchronous>, transform_indices = @transform_6, window_bounds = array<i64: 2048, 768>}, {pipeline_mode = #tpu.pipeline_mode<synchronous>, transform_indices = @transform_7, window_bounds = array<i64: 2048, 768>}, {pipeline_mode = #tpu.pipeline_mode<synchronous>, transform_indices = @transform_8, window_bounds = array<i64: 1, 8>}, {pipeline_mode = #tpu.pipeline_mode<synchronous>, transform_indices = @transform_9, window_bounds = array<i64: 1, 1>}]} {
    %eq3A = arith.constant 0 : i32
    %eq3A_0 = arith.cmpi eq, %arg0, %eq3A : i32
    %eq3A_1 = arith.constant 0 : i32
    %eq3A_2 = arith.cmpi eq, %arg1, %eq3A_1 : i32
    %and3A = arith.andi %eq3A_0, %eq3A_2 : i1
    %eq3A_3 = arith.constant 0 : i32
    %eq3A_4 = arith.cmpi eq, %arg2, %eq3A_3 : i32
    %and3A_5 = arith.andi %and3A, %eq3A_4 : i1
    %convert_element_type3A = arith.extui %and3A_5 : i1 to i32
    %cond3A = arith.constant 0 : i32
    %cond3A_6 = arith.cmpi ne, %convert_element_type3A, %cond3A : i32
    scf.if %cond3A_6 {
      %get3A_81 = arith.constant 0 : index
      %get3A_82 = arith.constant 0 : index
      %get3A_83 = vector.load %arg9[%get3A_81, %get3A_82] : memref<2048x768xf32, #tpu.memory_space<vmem>>, vector<2048x768xf32>
      %swap3A_84 = arith.constant 0 : index
      %swap3A_85 = arith.constant 0 : index
      %swap3A_86 = vector.load %arg10[%swap3A_84, %swap3A_85] : memref<2048x768xf32, #tpu.memory_space<vmem>>, vector<2048x768xf32>
      tpu.vector_store %arg10[%swap3A_84, %swap3A_85], %get3A_83 {strides = array<i32>} : memref<2048x768xf32, #tpu.memory_space<vmem>>, vector<2048x768xf32>,
      %broadcast_in_dim3A_87 = arith.constant 0.000000e+00 : f32
      %broadcast_in_dim3A_88 = vector.broadcast %broadcast_in_dim3A_87 : f32 to vector<1x8xf32>
      %swap3A_89 = arith.constant 0 : index
      %swap3A_90 = arith.constant 0 : index
      %swap3A_91 = vector.load %arg11[%swap3A_89, %swap3A_90] : memref<1x8xf32, #tpu.memory_space<vmem>>, vector<1x8xf32>
      tpu.vector_store %arg11[%swap3A_89, %swap3A_90], %broadcast_in_dim3A_88 {strides = array<i32>} : memref<1x8xf32, #tpu.memory_space<vmem>>, vector<1x8xf32>,
    } else {
    }
    %get3A = arith.constant 0 : index
    %get3A_7 = arith.constant 0 : index
    %get3A_8 = vector.load %arg4[%get3A, %get3A_7] : memref<512x2xi32, #tpu.memory_space<vmem>>, vector<512x2xi32>
    %eq3A_9 = arith.constant 0 : i32
    %eq3A_10 = arith.cmpi eq, %arg0, %eq3A_9 : i32
    %eq3A_11 = arith.constant 0 : i32
    %eq3A_12 = arith.cmpi eq, %arg1, %eq3A_11 : i32
    %and3A_13 = arith.andi %eq3A_10, %eq3A_12 : i1
    %convert_element_type3A_14 = arith.extui %and3A_13 : i1 to i32
    %cond3A_15 = arith.constant 0 : i32
    %cond3A_16 = arith.cmpi ne, %convert_element_type3A_14, %cond3A_15 : i32
    scf.if %cond3A_16 {
      %iota3A = tpu.iota {dimensions = array<i32: 1>} : vector<1x8xi32>
      %slice3A = vector.extract_strided_slice %get3A_8 {offsets = [0, 0], sizes = [512, 1], strides = [1, 1]} : vector<512x2xi32> to vector<512x1xi32>
      %eq3A_81 = vector.broadcast %slice3A : vector<512x1xi32> to vector<512x8xi32>
      %eq3A_82 = vector.broadcast %iota3A : vector<1x8xi32> to vector<512x8xi32>
      %eq3A_83 = arith.cmpi eq, %eq3A_81, %eq3A_82 : vector<512x8xi32>
      %convert_element_type3A_84 = arith.extui %eq3A_83 : vector<512x8xi1> to vector<512x8xi32>
      %convert_element_type3A_85 = arith.sitofp %convert_element_type3A_84 : vector<512x8xi32> to vector<512x8xf32>
      %reduce_sum3A_86 = arith.constant dense<0.000000e+00> : vector<8xf32>
      %reduce_sum3A_87 = vector.multi_reduction <add>, %convert_element_type3A_85, %reduce_sum3A_86 [0] : vector<512x8xf32> to vector<8xf32>
      %broadcast_in_dim3A_88 = vector.shape_cast %reduce_sum3A_87 : vector<8xf32> to vector<1x8xf32>
      %slice3A_89 = vector.extract_strided_slice %get3A_8 {offsets = [0, 1], sizes = [512, 1], strides = [1, 1]} : vector<512x2xi32> to vector<512x1xi32>
      %eq3A_90 = vector.broadcast %slice3A_89 : vector<512x1xi32> to vector<512x8xi32>
      %eq3A_91 = vector.broadcast %iota3A : vector<1x8xi32> to vector<512x8xi32>
      %eq3A_92 = arith.cmpi eq, %eq3A_90, %eq3A_91 : vector<512x8xi32>
      %convert_element_type3A_93 = arith.extui %eq3A_92 : vector<512x8xi1> to vector<512x8xi32>
      %convert_element_type3A_94 = arith.sitofp %convert_element_type3A_93 : vector<512x8xi32> to vector<512x8xf32>
      %reduce_sum3A_95 = arith.constant dense<0.000000e+00> : vector<8xf32>
      %reduce_sum3A_96 = vector.multi_reduction <add>, %convert_element_type3A_94, %reduce_sum3A_95 [0] : vector<512x8xf32> to vector<8xf32>
      %broadcast_in_dim3A_97 = vector.shape_cast %reduce_sum3A_96 : vector<8xf32> to vector<1x8xf32>
      %add3A_98 = arith.addf %broadcast_in_dim3A_88, %broadcast_in_dim3A_97 : vector<1x8xf32>
      %get3A_99 = arith.constant 0 : index
      %get3A_100 = arith.constant 0 : index
      %get3A_101 = vector.load %arg11[%get3A_99, %get3A_100] : memref<1x8xf32, #tpu.memory_space<vmem>>, vector<1x8xf32>
      %add3A_102 = arith.addf %get3A_101, %add3A_98 : vector<1x8xf32>
      %swap3A_103 = arith.constant 0 : index
      %swap3A_104 = arith.constant 0 : index
      %swap3A_105 = vector.load %arg11[%swap3A_103, %swap3A_104] : memref<1x8xf32, #tpu.memory_space<vmem>>, vector<1x8xf32>
      tpu.vector_store %arg11[%swap3A_103, %swap3A_104], %add3A_102 {strides = array<i32>} : memref<1x8xf32, #tpu.memory_space<vmem>>, vector<1x8xf32>,
      %eq3A_106 = arith.constant 3 : i32
      %eq3A_107 = arith.cmpi eq, %arg2, %eq3A_106 : i32
      %convert_element_type3A_108 = arith.extui %eq3A_107 : i1 to i32
      %cond3A_109 = arith.constant 0 : i32
      %cond3A_110 = arith.cmpi ne, %convert_element_type3A_108, %cond3A_109 : i32
      scf.if %cond3A_110 {
        %get3A_111 = arith.constant 0 : index
        %get3A_112 = arith.constant 0 : index
        %get3A_113 = vector.load %arg11[%get3A_111, %get3A_112] : memref<1x8xf32, #tpu.memory_space<vmem>>, vector<1x8xf32>
        %sub3A = arith.constant 2.560000e+02 : f32
        %sub3A_114 = vector.broadcast %sub3A : f32 to vector<1x8xf32>
        %sub3A_115 = arith.subf %get3A_113, %sub3A_114 : vector<1x8xf32>
        %mul3A_116 = arith.mulf %sub3A_115, %sub3A_115 : vector<1x8xf32>
        %reduce_sum3A_117 = arith.constant dense<0.000000e+00> : vector<1xf32>
        %reduce_sum3A_118 = vector.multi_reduction <add>, %mul3A_116, %reduce_sum3A_117 [1] : vector<1x8xf32> to vector<1xf32>
        %broadcast_in_dim3A_119 = vector.shape_cast %reduce_sum3A_118 : vector<1xf32> to vector<1x1xf32>
        %mul3A_120 = arith.constant 1.250000e-03 : f32
        %mul3A_121 = vector.broadcast %mul3A_120 : f32 to vector<1x1xf32>
        %mul3A_122 = arith.mulf %broadcast_in_dim3A_119, %mul3A_121 : vector<1x1xf32>
        %swap3A_123 = arith.constant 0 : index
        %swap3A_124 = arith.constant 0 : index
        %swap3A_125 = vector.load %arg12[%swap3A_123, %swap3A_124] : memref<1x1xf32, #tpu.memory_space<vmem>>, vector<1x1xf32>
        tpu.vector_store %arg12[%swap3A_123, %swap3A_124], %mul3A_122 {strides = array<i32>} : memref<1x1xf32, #tpu.memory_space<vmem>>, vector<1x1xf32>,
      } else {
      }
    } else {
    }
    %get3A_17 = arith.constant 0 : index
    %get3A_18 = arith.constant 0 : index
    %get3A_19 = vector.load %arg3[%get3A_17, %get3A_18] : memref<512x768xf32, #tpu.memory_space<vmem>>, vector<512x768xf32>
    %convert_element_type3A_20 = arith.truncf %get3A_19 : vector<512x768xf32> to vector<512x768xbf16>
    %get3A_21 = arith.constant 0 : index
    %get3A_22 = arith.constant 0 : index
    %get3A_23 = arith.constant 0 : index
    %get3A_24 = arith.constant 0 : index
    %get3A_25 = vector.load %arg5[%get3A_21, %get3A_22, %get3A_23, %get3A_24] : memref<1x1x1536x768xf32, #tpu.memory_space<vmem>>, vector<1x1x1536x768xf32>
    %get3A_26 = vector.shape_cast %get3A_25 : vector<1x1x1536x768xf32> to vector<1536x768xf32>
    %convert_element_type3A_27 = arith.truncf %get3A_26 : vector<1536x768xf32> to vector<1536x768xbf16>
    %dot_general3A = arith.constant dense<0.000000e+00> : vector<512x1536xf32>
    %dot_general3A_28 = tpu.matmul %convert_element_type3A_20, %convert_element_type3A_27, %dot_general3A {dimension_numbers = #tpu.dot_dimension_numbers<[1], [1], [0], [0], [0, 0, 1, 0], [], []>, transpose_lhs_hint = false} : vector<512x768xbf16>, vector<1536x768xbf16>, vector<512x1536xf32> -> vector<512x1536xf32>
    %get3A_29 = arith.constant 0 : index
    %get3A_30 = arith.constant 0 : index
    %get3A_31 = arith.constant 0 : index
    %get3A_32 = vector.load %arg6[%get3A_29, %get3A_30, %get3A_31] : memref<1x1x1536xf32, #tpu.memory_space<vmem>>, vector<1x1x1536xf32>
    %get3A_33 = vector.shape_cast %get3A_32 : vector<1x1x1536xf32> to vector<1x1536xf32>
    %add3A = vector.broadcast %get3A_33 : vector<1x1536xf32> to vector<512x1536xf32>
    %add3A_34 = arith.addf %dot_general3A_28, %add3A : vector<512x1536xf32>
    %mul3A = arith.constant 5.000000e-01 : f32
    %mul3A_35 = vector.broadcast %mul3A : f32 to vector<512x1536xf32>
    %mul3A_36 = arith.mulf %mul3A_35, %add3A_34 : vector<512x1536xf32>
    %mul3A_37 = arith.constant 0.707106769 : f32
    %mul3A_38 = vector.broadcast %mul3A_37 : f32 to vector<512x1536xf32>
    %mul3A_39 = arith.mulf %add3A_34, %mul3A_38 : vector<512x1536xf32>
    %erf3A = math.erf %mul3A_39 : vector<512x1536xf32>
    %add3A_40 = arith.constant 1.000000e+00 : f32
    %add3A_41 = vector.broadcast %add3A_40 : f32 to vector<512x1536xf32>
    %add3A_42 = arith.addf %add3A_41, %erf3A : vector<512x1536xf32>
    %mul3A_43 = arith.mulf %mul3A_36, %add3A_42 : vector<512x1536xf32>
    %convert_element_type3A_44 = arith.truncf %mul3A_43 : vector<512x1536xf32> to vector<512x1536xbf16>
    %get3A_45 = arith.constant 0 : index
    %get3A_46 = arith.constant 0 : index
    %get3A_47 = arith.constant 0 : index
    %get3A_48 = arith.constant 0 : index
    %get3A_49 = vector.load %arg7[%get3A_45, %get3A_46, %get3A_47, %get3A_48] : memref<1x1x768x1536xf32, #tpu.memory_space<vmem>>, vector<1x1x768x1536xf32>
    %get3A_50 = vector.shape_cast %get3A_49 : vector<1x1x768x1536xf32> to vector<768x1536xf32>
    %convert_element_type3A_51 = arith.truncf %get3A_50 : vector<768x1536xf32> to vector<768x1536xbf16>
    %dot_general3A_52 = arith.constant dense<0.000000e+00> : vector<512x768xf32>
    %dot_general3A_53 = tpu.matmul %convert_element_type3A_44, %convert_element_type3A_51, %dot_general3A_52 {dimension_numbers = #tpu.dot_dimension_numbers<[1], [1], [0], [0], [0, 0, 1, 0], [], []>, transpose_lhs_hint = false} : vector<512x1536xbf16>, vector<768x1536xbf16>, vector<512x768xf32> -> vector<512x768xf32>
    %eq3A_54 = arith.constant 0 : i32
    %eq3A_55 = arith.cmpi eq, %arg1, %eq3A_54 : i32
    %jit3A = arith.constant 1.000000e+00 : f32
    %jit3A_56 = arith.constant 0.000000e+00 : f32
    %select_n3A = arith.select %eq3A_55, %jit3A, %jit3A_56 : f32
    %get3A_57 = arith.constant 0 : index
    %get3A_58 = arith.constant 0 : index
    %get3A_59 = arith.constant 0 : index
    %get3A_60 = vector.load %arg8[%get3A_57, %get3A_58, %get3A_59] : memref<1x1x768xf32, #tpu.memory_space<vmem>>, vector<1x1x768xf32>
    %get3A_61 = vector.shape_cast %get3A_60 : vector<1x1x768xf32> to vector<1x768xf32>
    %mul3A_62 = vector.broadcast %select_n3A : f32 to vector<1x768xf32>
    %mul3A_63 = arith.mulf %mul3A_62, %get3A_61 : vector<1x768xf32>
    %add3A_64 = vector.broadcast %mul3A_63 : vector<1x768xf32> to vector<512x768xf32>
    %add3A_65 = arith.addf %dot_general3A_53, %add3A_64 : vector<512x768xf32>
    %eq3A_66 = vector.broadcast %arg0 : i32 to vector<512x2xi32>
    %eq3A_67 = arith.cmpi eq, %get3A_8, %eq3A_66 : vector<512x2xi32>
    %convert_element_type3A_68 = arith.extui %eq3A_67 : vector<512x2xi1> to vector<512x2xi32>
    %convert_element_type3A_69 = arith.sitofp %convert_element_type3A_68 : vector<512x2xi32> to vector<512x2xf32>
    %reduce_sum3A = arith.constant dense<0.000000e+00> : vector<512xf32>
    %reduce_sum3A_70 = vector.multi_reduction <add>, %convert_element_type3A_69, %reduce_sum3A [1] : vector<512x2xf32> to vector<512xf32>
    %broadcast_in_dim3A = vector.shape_cast %reduce_sum3A_70 : vector<512xf32> to vector<512x1xf32>
    %mul3A_71 = arith.constant 512 : i32
    %mul3A_72 = arith.muli %arg2, %mul3A_71 : i32
    %get3A_73 = arith.index_cast %mul3A_72 : i32 to index
    %get3A_74 = arith.constant 0 : index
    %get3A_75 = vector.load %arg10[%get3A_73, %get3A_74] : memref<2048x768xf32, #tpu.memory_space<vmem>>, vector<512x768xf32>
    %mul3A_76 = vector.broadcast %broadcast_in_dim3A : vector<512x1xf32> to vector<512x768xf32>
    %mul3A_77 = arith.mulf %mul3A_76, %add3A_65 : vector<512x768xf32>
    %add3A_78 = arith.addf %get3A_75, %mul3A_77 : vector<512x768xf32>
    %swap3A = arith.index_cast %mul3A_72 : i32 to index
    %swap3A_79 = arith.constant 0 : index
    %swap3A_80 = vector.load %arg10[%swap3A, %swap3A_79] : memref<2048x768xf32, #tpu.memory_space<vmem>>, vector<512x768xf32>
    tpu.vector_store %arg10[%swap3A, %swap3A_79], %add3A_78 {strides = array<i32>} : memref<2048x768xf32, #tpu.memory_space<vmem>>, vector<512x768xf32>,
    return
  }
  func.func @transform_0(%arg0: i32, %arg1: i32, %arg2: i32) -> (i32, i32) {
    %c0_i32 = arith.constant 0 : i32
    %c0_i32_0 = arith.constant 0 : i32
    return %arg2, %c0_i32 : i32, i32
  }
  func.func @transform_1(%arg0: i32, %arg1: i32, %arg2: i32) -> (i32, i32) {
    %c0_i32 = arith.constant 0 : i32
    %c0_i32_0 = arith.constant 0 : i32
    return %arg2, %c0_i32 : i32, i32
  }
  func.func @transform_2(%arg0: i32, %arg1: i32, %arg2: i32) -> (i32, i32, i32, i32) {
    %c0_i32 = arith.constant 0 : i32
    %c0_i32_0 = arith.constant 0 : i32
    %c0_i32_1 = arith.constant 0 : i32
    return %c0_i32, %arg0, %arg1, %c0_i32_0 : i32, i32, i32, i32
  }
  func.func @transform_3(%arg0: i32, %arg1: i32, %arg2: i32) -> (i32, i32, i32) {
    %c0_i32 = arith.constant 0 : i32
    %c0_i32_0 = arith.constant 0 : i32
    return %arg0, %c0_i32, %arg1 : i32, i32, i32
  }
  func.func @transform_4(%arg0: i32, %arg1: i32, %arg2: i32) -> (i32, i32, i32, i32) {
    %c0_i32 = arith.constant 0 : i32
    %c0_i32_0 = arith.constant 0 : i32
    %c0_i32_1 = arith.constant 0 : i32
    return %c0_i32, %arg0, %c0_i32_0, %arg1 : i32, i32, i32, i32
  }
  func.func @transform_5(%arg0: i32, %arg1: i32, %arg2: i32) -> (i32, i32, i32) {
    %c0_i32 = arith.constant 0 : i32
    %c0_i32_0 = arith.constant 0 : i32
    %c0_i32_1 = arith.constant 0 : i32
    return %arg0, %c0_i32, %c0_i32_0 : i32, i32, i32
  }
  func.func @transform_6(%arg0: i32, %arg1: i32, %arg2: i32) -> (i32, i32) {
    %c0_i32 = arith.constant 0 : i32
    %c0_i32_0 = arith.constant 0 : i32
    %c0_i32_1 = arith.constant 0 : i32
    return %c0_i32, %c0_i32_0 : i32, i32
  }
  func.func @transform_7(%arg0: i32, %arg1: i32, %arg2: i32) -> (i32, i32) {
    %c0_i32 = arith.constant 0 : i32
    %c0_i32_0 = arith.constant 0 : i32
    %c0_i32_1 = arith.constant 0 : i32
    return %c0_i32, %c0_i32_0 : i32, i32
  }
  func.func @transform_8(%arg0: i32, %arg1: i32, %arg2: i32) -> (i32, i32) {
    %c0_i32 = arith.constant 0 : i32
    %c0_i32_0 = arith.constant 0 : i32
    %c0_i32_1 = arith.constant 0 : i32
    return %c0_i32, %c0_i32_0 : i32, i32
  }
  func.func @transform_9(%arg0: i32, %arg1: i32, %arg2: i32) -> (i32, i32) {
    %c0_i32 = arith.constant 0 : i32
    %c0_i32_0 = arith.constant 0 : i32
    %c0_i32_1 = arith.constant 0 : i32
    return %c0_i32, %c0_i32_0 : i32, i32
  }
}

module attributes {stable_mosaic.version = 14 : i64} {
  func.func @_lm_body(%arg0: i32, %arg1: i32, %arg2: memref<2048x768xf32, #tpu.memory_space<vmem>>, %arg3: memref<3200x768xf32, #tpu.memory_space<vmem>>, %arg4: memref<1x3200xf32, #tpu.memory_space<vmem>>, %arg5: memref<256x3200xf32, #tpu.memory_space<vmem>>) attributes {dimension_semantics = [#tpu.dimension_semantics<arbitrary>, #tpu.dimension_semantics<arbitrary>], iteration_bounds = array<i64: 10, 8>, scalar_prefetch = 0 : i64, scratch_operands = 0 : i64, tpu.core_type = #tpu.core_type<tc>, window_params = [{pipeline_mode = #tpu.pipeline_mode<synchronous>, transform_indices = @transform_0, window_bounds = array<i64: 2048, 768>}, {transform_indices = @transform_1, window_bounds = array<i64: 3200, 768>}, {transform_indices = @transform_2, window_bounds = array<i64: 1, 3200>}, {transform_indices = @transform_3, window_bounds = array<i64: 256, 3200>}]} {
    %mul3A = arith.constant 256 : i32
    %mul3A_0 = arith.muli %arg1, %mul3A : i32
    %get3A = arith.index_cast %mul3A_0 : i32 to index
    %get3A_1 = arith.constant 0 : index
    %get3A_2 = vector.load %arg2[%get3A, %get3A_1] : memref<2048x768xf32, #tpu.memory_space<vmem>>, vector<256x768xf32>
    %convert_element_type3A = arith.truncf %get3A_2 : vector<256x768xf32> to vector<256x768xbf16>
    %get3A_3 = arith.constant 0 : index
    %get3A_4 = arith.constant 0 : index
    %get3A_5 = vector.load %arg3[%get3A_3, %get3A_4] : memref<3200x768xf32, #tpu.memory_space<vmem>>, vector<3200x768xf32>
    %convert_element_type3A_6 = arith.truncf %get3A_5 : vector<3200x768xf32> to vector<3200x768xbf16>
    %dot_general3A = arith.constant dense<0.000000e+00> : vector<256x3200xf32>
    %dot_general3A_7 = tpu.matmul %convert_element_type3A, %convert_element_type3A_6, %dot_general3A {dimension_numbers = #tpu.dot_dimension_numbers<[1], [1], [0], [0], [0, 0, 1, 0], [], []>, transpose_lhs_hint = false} : vector<256x768xbf16>, vector<3200x768xbf16>, vector<256x3200xf32> -> vector<256x3200xf32>
    %get3A_8 = arith.constant 0 : index
    %get3A_9 = arith.constant 0 : index
    %get3A_10 = vector.load %arg4[%get3A_8, %get3A_9] : memref<1x3200xf32, #tpu.memory_space<vmem>>, vector<1x3200xf32>
    %add3A = vector.broadcast %get3A_10 : vector<1x3200xf32> to vector<256x3200xf32>
    %add3A_11 = arith.addf %dot_general3A_7, %add3A : vector<256x3200xf32>
    %swap3A = arith.constant 0 : index
    %swap3A_12 = arith.constant 0 : index
    %swap3A_13 = vector.load %arg5[%swap3A, %swap3A_12] : memref<256x3200xf32, #tpu.memory_space<vmem>>, vector<256x3200xf32>
    tpu.vector_store %arg5[%swap3A, %swap3A_12], %add3A_11 {strides = array<i32>} : memref<256x3200xf32, #tpu.memory_space<vmem>>, vector<256x3200xf32>,
    return
  }
  func.func @transform_0(%arg0: i32, %arg1: i32) -> (i32, i32) {
    %c0_i32 = arith.constant 0 : i32
    %c0_i32_0 = arith.constant 0 : i32
    %c0_i32_1 = arith.constant 0 : i32
    return %c0_i32, %c0_i32_0 : i32, i32
  }
  func.func @transform_1(%arg0: i32, %arg1: i32) -> (i32, i32) {
    %c0_i32 = arith.constant 0 : i32
    %c0_i32_0 = arith.constant 0 : i32
    return %arg0, %c0_i32 : i32, i32
  }
  func.func @transform_2(%arg0: i32, %arg1: i32) -> (i32, i32) {
    %c0_i32 = arith.constant 0 : i32
    %c0_i32_0 = arith.constant 0 : i32
    return %c0_i32, %arg0 : i32, i32
  }
  func.func @transform_3(%arg0: i32, %arg1: i32) -> (i32, i32) {
    %c0_i32 = arith.constant 0 : i32
    return %arg1, %arg0 : i32, i32
  }
}

</mosaic_0001>

<sc_bundles>
// kernel: kernel.5.cloned.1.call-start
scs
__scs_entry_jumppad:
0x0: {  	(pc) =	sbr.rel $0x88, $3  }
0x1: {  	(tag) =	ssettag $0x0;
	lr =	simm.s32 $0x1  }
0x2: {  	[smem:$0x3F8F] =	sst lr;
	_ =	strace $0xD0000000  }
0x3: {  	_ = 	snop  }
0x4: {  	_ = 	snop  }
0x5: {  	_ = 	snop  }
0x6: {  	_ = 	snop  }
0x7: {  	_ = 	snop  }
__scs_overlays_trampoline_lowered:
0x8: {  	[smem:$0x3F9E] =	sst s0  }
0x9: {  	[smem:$0x3F9F] =	sst s1  }
0xa: {  	[smem:$0x3FA0] =	sst s2  }
0xb: {  	[smem:$0x3FA1] =	sst s3  }
0xc: {  	[smem:$0x3FA2] =	sst s4  }
0xd: {  	[smem:$0x3FA3] =	sst s5  }
0xe: {  	[smem:$0x3FA4] =	sst s6  }
0xf: {  	[smem:$0x3FA5] =	sst s7  }
0x10: {  	[smem:$0x3FA6] =	sst s8  }
0x11: {  	[smem:$0x3FA7] =	sst s9;
	s0 =	simm.s32 @!p0 $0x0  }
0x12: {  	s1 =	sld [smem:$0x3F8D];
	s0 =	simm.s32 @p0 $0x1  }
0x13: {  	[smem:$0x3FA8] =	sst s0;
	s0 =	simm.s32 @!p1 $0x0  }
0x14: {  	s2 =	sld [smem:$0x3F8C];
	s0 =	simm.s32 @p1 $0x1  }
0x15: {  	[smem:$0x3FA9] =	sst s0;
	s0 =	simm.s32 @!p2 $0x0  }
0x16: {  	s3 =	sld [smem:$0x3FDB];
	s0 =	simm.s32 @p2 $0x1  }
0x17: {  	s4 =	simm.s32 $0x1BF5;
	[smem:$0x3FAB] =	sst s0  }
0x18: {  	s0 =	sld [smem:$0x3F8E];
	_ =	swait.ge [sflag:s4], $0x0  }
0x19: {  	s7 =	sld [smem:$0x3F8F]  }
0x1a: {  	s8 =	sadd.s32 $0xFFFFE003, lr  }
0x1b: {  	s9 =	sadd.s32 $0xFFFFFEF7, lr;
	s5 =	simm.s32 $0xFFFFFFFF;
	p2 =	slt.u32 s8, $0xFFFFF086  }
0x1c: {  	p1 =	slt.u32 s9, $0xF7A;
	s5 =	simm.s32 @!p2 $0x0  }
0x1d: {  	s5 =	simm.s32 @p1 $0x1;
	p0 =	seq.s32 s7, s2  }
0x1e: {  	s7 =	smul.u32 @!p0 $0xF7A, s2;
	p2 =	seq.s32 @!p0 s5, $0x0  }
0x1f: {  	s9 =	smul.u32 $0xF7A, s1;
	s8 =	simm.s32 @!p0 $0x1BF5;
	p2 =	por !p2, p0  }
0x20: {  	[sflag:s8] =	ssyncset.s32 @!p0 $0xFFFFF086;
	s6 =	sadd.s32 @!p0 s3, s7;
	s7 =	simm.s32 @!p0 $0x108  }
0x21: {  	s3 =	sadd.s32 s3, s9;
	s6 =	sadd.s32 @!p0 $0x88, s6;
	s7 =	simm.s32 @p2 $0x1082  }
0x22: {  	[simem:s7], [sflag:s8] =	dma.local @!p0 [hbm:s6], $0xF7A  }
0x23: {  	s9 =	sor.u32 $0xD0000000, s2;
	s6 =	simm.s32 $0x108;
	_ =	swait.ge @!p0 [sflag:s8], $0x0  }
0x24: {  	s3 =	sadd.s32 $0x88, s3;
	s6 =	simm.s32 @!p1 $0x1082;
	[sflag:s4] =	ssyncset.s32 $0xFFFFF086  }
0x25: {  	[simem:s6], [sflag:s4] =	dma.local [hbm:s3], $0xF7A  }
0x26: {  	[smem:$0x3F8F] =	sst s1;
	(tag) =	ssettag s2;
	_ =	strace s9  }
0x27: {  	s1 =	sld [smem:$0x3F9F]  }
0x28: {  	s2 =	sld [smem:$0x3FA0]  }
0x29: {  	s4 =	sld [smem:$0x3FA2]  }
0x2a: {  	p0 =	seq.s32 s5, $0x0;
	s5 =	sld [smem:$0x3FA3]  }
0x2b: {  	s6 =	sld [smem:$0x3FA4]  }
0x2c: {  	s7 =	sld [smem:$0x3FA5]  }
0x2d: {  	s3 =	simm.s32 $0x108;
	s8 =	sld [smem:$0x3FA6]  }
0x2e: {  	s3 =	simm.s32 @!p0 $0x1082;
	s9 =	sld [smem:$0x3FA7]  }
0x2f: {  	lr =	sadd.s32 s0, s3;
	s0 =	sld [smem:$0x3F9E]  }
0x30: {  	s3 =	sld [smem:$0x3FA1]  }
0x31: {  	[smem:$0x3FAA] =	sst s10  }
0x32: {  	s10 =	sld [smem:$0x3FA8];
	_ =	sdelay $0x3  }
0x33: {  	p0 =	seq.s32 s10, $0x1;
	s10 =	sld [smem:$0x3FAA];
	_ =	sdelay $0x3  }
0x34: {  	[smem:$0x3FAA] =	sst s10  }
0x35: {  	s10 =	sld [smem:$0x3FA9];
	_ =	sdelay $0x3  }
0x36: {  	p1 =	seq.s32 s10, $0x1;
	s10 =	sld [smem:$0x3FAA];
	_ =	sdelay $0x3  }
0x37: {  	[smem:$0x3FAA] =	sst s10  }
0x38: {  	s10 =	sld [smem:$0x3FAB]  }
0x39: {  	_ = 	snop;
	(pc) =	sbr.ind lr, $3  }
0x3a: {  	_ = 	snop  }
0x3b: {  	_ = 	snop  }
0x3c: {  	p2 =	seq.s32 s10, $0x1;
	s10 =	sld [smem:$0x3FAA]  }
0x3d: {  	_ =	shalt  }
0x3e: {  	_ =	shalt  }
0x3f: {  	_ =	shalt  }
0x40: {  	_ =	shalt  }
0x41: {  	_ =	shalt  }
0x42: {  	_ =	shalt  }
0x43: {  	_ =	shalt  }
0x44: {  	_ =	shalt  }
0x45: {  	_ =	shalt  }
0x46: {  	_ =	shalt  }
0x47: {  	_ =	shalt  }
0x48: {  	_ =	shalt  }
0x49: {  	_ =	shalt  }
0x4a: {  	_ =	shalt  }
0x4b: {  	_ =	shalt  }
0x4c: {  	_ =	shalt  }
0x4d: {  	_ =	shalt  }
0x4e: {  	_ =	shalt  }
0x4f: {  	_ =	shalt  }
0x50: {  	_ =	shalt  }
0x51: {  	_ =	shalt  }
0x52: {  	_ =	shalt  }
0x53: {  	_ =	shalt  }
0x54: {  	_ =	shalt  }
0x55: {  	_ =	shalt  }
0x56: {  	_ =	shalt  }
0x57: {  	_ =	shalt  }
0x58: {  	_ =	shalt  }
0x59: {  	_ =	shalt  }
0x5a: {  	_ =	shalt  }
0x5b: {  	_ =	shalt  }
0x5c: {  	_ =	shalt  }
0x5d: {  	_ =	shalt  }
0x5e: {  	_ =	shalt  }
0x5f: {  	_ =	shalt  }
0x60: {  	_ =	shalt  }
0x61: {  	_ =	shalt  }
0x62: {  	_ =	shalt  }
0x63: {  	_ =	shalt  }
0x64: {  	_ =	shalt  }
0x65: {  	_ =	shalt  }
0x66: {  	_ =	shalt  }
0x67: {  	_ =	shalt  }
0x68: {  	_ =	shalt  }
0x69: {  	_ =	shalt  }
0x6a: {  	_ =	shalt  }
0x6b: {  	_ =	shalt  }
0x6c: {  	_ =	shalt  }
0x6d: {  	_ =	shalt  }
0x6e: {  	_ =	shalt  }
0x6f: {  	_ =	shalt  }
0x70: {  	_ =	shalt  }
0x71: {  	_ =	shalt  }
0x72: {  	_ =	shalt  }
0x73: {  	_ =	shalt  }
0x74: {  	_ =	shalt  }
0x75: {  	_ =	shalt  }
0x76: {  	_ =	shalt  }
0x77: {  	_ =	shalt  }
0x78: {  	_ =	shalt  }
0x79: {  	_ =	shalt  }
0x7a: {  	_ =	shalt  }
0x7b: {  	_ =	shalt  }
0x7c: {  	_ =	shalt  }
0x7d: {  	_ =	shalt  }
0x7e: {  	_ =	shalt  }
0x7f: {  	_ =	shalt  }
0x80: {  	_ =	shalt  }
0x81: {  	_ =	shalt  }
0x82: {  	_ =	shalt  }
0x83: {  	_ =	shalt  }
0x84: {  	_ =	shalt  }
0x85: {  	_ =	shalt  }
0x86: {  	_ =	shalt  }
0x87: {  	_ =	shalt  }
.Lfunc_end0:
.L_simem_size_0:
called_computation_lowered:
.L_overlay_start_0:
0x88: {  	s2 =	sld [smem:$0x3FD9]  }
0x89: {  	s3 =	sld [smem:$0x3FFE];
	_ =	sdelay $0x1  }
0x8a: {  	s1 =	srdreg.scid  }
0x8b: {  	s0 =	sand.u32 $0x1, s1  }
0x8c: {  	s15 =	sshll.u32 s0, $0xA;
	s2 =	sadd.s32 s3, s2  }
0x8d: {  	s2 =	sadd.s32 s2, s15  }
0x8e: {  	[smem:$0x3FB6] =	sst s2  }
0x8f: {  	_ = 	snop  }
0x90: {  	s2 =	sld [smem:$0x3FD0];
	_ =	sdelay $0x1  }
0x91: {  	s16 =	sld [smem:$0x3FC9]  }
0x92: {  	s5 =	simm.s32 $0xA;
	s6 =	simm.s32 $0x10;
	s4 =	sld [smem:$0x3FC8]  }
0x93: {  	[smem:s6], [sflag:s5] =	dma.local [hbm:s2], $0x1  }
0x94: {  	_ =	swait.eq [sflag:s5], $0x1  }
0x95: {  	[sflag:s5] =	ssyncset.done $0x0  }
0x96: {  	[sflag:s5] =	ssyncadd.s32 $0xFFFFFFFF  }
0x97: {  	s17 =	sld [smem:$0x10];
	(tm) =	ssettm $0x1  }
0x98: {  	s18 =	sld [smem:$0x3FFB];
	_ =	sdelay $0x3  }
0x99: {  	_ =	strace s18  }
0x9a: {  	s5 =	sld [smem:$0x3FFC];
	_ =	sdelay $0x3  }
0x9b: {  	_ =	strace s5  }
0x9c: {  	s5 =	sld [smem:$0x3FFD];
	_ =	sdelay $0x3  }
0x9d: {  	_ =	strace s5  }
0x9e: {  	_ =	strace $0x8FFFFFFF  }
0x9f: {  	s19 =	sld [smem:$0x3FDB];
	_ =	sdelay $0x1  }
0xa0: {  	s20 =	simm.s32 $_scs_section_size  }
0xa1: {  	s7 =	simm.s32 $_size__tile_overlayer_lowered;
	s8 =	simm.s32 $_tile_overlayer_lowered  }
0xa2: {  	s23 =	simm.s32 $0x1BFF;
	s22 =	sshll.u32 s8, $0x1;
	s5 =	sadd.s32 s20, s19  }
0xa3: {  	s9 =	simm.s32 $0x0;
	s21 =	sshll.u32 s7, $0x1;
	s7 =	sadd.s32 s22, s5  }
0xa4: {  	[timem:s9], [sflag:s23] =	dma.local [hbm:s7], s21  }
0xa5: {  	_ =	swait.ge [sflag:s23], s21  }
0xa6: {  	s6 =	ssub.s32 $0x0, s21;
	[sflag:s23] =	ssyncset.done $0x0  }
0xa7: {  	[sflag:s23] =	ssyncadd.s32 s6;
	_ =	sdelay $0x1  }
0xa8: {  	s24 =	simm.s32 $0x1B8B  }
0xa9: {  	_ =	swait.ge [sflag:s24], $0x1  }
0xaa: {  	[sflag:s24] =	ssyncset.done $0x0  }
0xab: {  	s25 =	simm.s32 $0x1B8E;
	[sflag:s24] =	ssyncadd.s32 $0xFFFFFFFF  }
0xac: {  	s26 =	simm.s32 $execute0_lowered;
	[smem:$0x3FD2] =	sst s25  }
0xad: {  	s6 =	sshll.u32 s26, $0x1;
	_ =	strace $0x80000046;
	[dreg:$0x1] =	wrdreg $0xFFFFFFFF  }
0xae: {  	s28 =	simm.s32 $_size_execute0_lowered;
	s5 =	sadd.s32 s5, s6;
	[dreg:$0x0] =	wrdreg $0x0  }
0xaf: {  	s6 =	sshll.u32 s28, $0x1;
	[dreg:$0x2] =	wrdreg s5  }
0xb0: {  	[dreg:$0x3] =	wrdreg s6  }
0xb1: {  	[dreg:$0x4] =	wrdreg $0xC0  }
0xb2: {  	_ =	task [dreg:s9], $0x5FFFF  }
0xb3: {  	[dreg:$0x1] =	wrdreg $0xFFFFFFFF  }
0xb4: {  	[dreg:$0x0] =	wrdreg $0x60  }
0xb5: {  	[dreg:$0x2] =	wrdreg s4  }
0xb6: {  	[dreg:$0x3] =	wrdreg s16  }
0xb7: {  	[dreg:$0x4] =	wrdreg s17  }
0xb8: {  	[dreg:$0x5] =	wrdreg $0x9  }
0xb9: {  	_ =	task.clear_ibuf [dreg:s9], $0x6FFFF;
	_ =	strace $0x90000046  }
0xba: {  	s29 =	simm.s32 $0x9;
	_ =	strace $0x80000048  }
0xbb: {  	_ =	swait.ge [sflag:s29], $0x1  }
0xbc: {  	[sflag:s29] =	ssyncadd.s32 $0xFFFFFFFF  }
0xbd: {  	_ =	strace $0x90000048  }
0xbe: {  	_ =	sfence  }
0xbf: {  	s30 =	sld [smem:$0x0];
	_ =	sdelay $0x2  }
0xc0: {  	s31 =	sshll.u32 s1, $0xD;
	s1 =	sshrl.u32 s1, $0x2  }
0xc1: {  	s3 =	sand.u32 $0x4000, s31;
	s1 =	sadd.s32 s1, s30  }
0xc2: {  	s0 =	sor.u32 s3, s0;
	s1 =	sshll.u32 s1, $0x11  }
0xc3: {  	s0 =	sor.u32 s1, s0  }
0xc4: {  	s0 =	sadd.s32 $0x8F2B, s0  }
0xc5: {  	[sflag:s0] =	ssyncadd.remote.s32 $0x1  }
0xc6: {  	_ =	sfence.sel $0xFFFF  }
0xc7: {  	[dreg:$0x0] =	wrdreg $0xFFFFFFFF;
	(pc) =	sbr.abs _section_cstart, $3  }
0xc8: {  	[dreg:$0x1] =	wrdreg $0xFFFFFFFF  }
0xc9: {  	_ =	task.clear_ibuf [dreg:s9], $0x2FFFF;
	_ =	strace $0x9FFFFFFF  }
0xca: {  	(tm) =	ssettm $0x7FFFFFFF  }
0xcb: {  	_ =	shalt  }
tec
execute0_lowered:
.L_overlay_start_1:
0x0: {  	(tag) =	ssettag $0x1  }
0x1: {  	s2 =	rddreg [dreg:$0x0]  }
0x2: {  	s0 =	rddreg [dreg:$0x1];
	s3 =	srdreg.scid  }
0x3: {  	s5 =	rddreg [dreg:$0x2];
	s1 =	stileid.u32  }
0x4: {  	s26 =	simm.s32 $0x880;
	s9 =	simm.s32 $0x1080;
	s10 =	simm.s32 $0x1880  }
0x5: {  	s11 =	simm.s32 $0x2080;
	s12 =	simm.s32 $0x2880;
	s13 =	simm.s32 $0x3080  }
0x6: {  	s14 =	simm.s32 $0x3880;
	s15 =	simm.s32 $0x4080;
	s16 =	simm.s32 $0x4880  }
0x7: {  	s17 =	simm.s32 $0x5080;
	s18 =	simm.s32 $0x5880;
	s19 =	simm.s32 $0x6080  }
0x8: {  	s20 =	simm.s32 $0x6880;
	s21 =	simm.s32 $0x7080;
	s22 =	simm.s32 $0x7880  }
0x9: {  	s23 =	simm.s32 $0x8080;
	s28 =	simm.s32 $0xA080;
	s29 =	simm.s32 $0xA880  }
0xa: {  	s30 =	simm.s32 $0xB080;
	s31 =	simm.s32 $0xB880;
	s4 =	sand.u32 $0x1, s3  }
0xb: {  	s6 =	sshll.u32 s1, $0x4;
	s3 =	simm.s32 $0x0;
	s7 =	sshll.u32 s4, $0x3  }
0xc: {  	s4 =	ssub.s32 $0x2, s4;
	[smem:$0x7FF] =	sst s3;
	s6 =	sor.u32 s7, s6  }
0xd: {  	s24 =	sshrl.u32 s4, $0x1;
	_ =	strace $0x80000047;
	[dreg:$0x6] =	wrdreg s26  }
0xe: {  	s26 =	simm.s32 $0x9880;
	s8 =	smul.u32 $0x300, s6;
	s7 =	ssub.s32 s4, s24  }
0xf: {  	s0 =	sadd.s32 s0, s6;
	s4 =	sadd.s32 $0x100, s2;
	s24 =	simm.s32 $0x8880  }
0x10: {  	v2 =	vlaneseq.u32;
	[dreg:$0x4] =	wrdreg s0;
	s6 =	smax.u32 s7, $0x1;
	s7 =	simm.s32 $0x2  }
0x11: {  	vm0 =	vmmov $0xffff;
	v1 =	vshrl.u32 v2, $0x3;
	s0 =	simm.s32 $0x1;
	s25 =	sadd.s32 s5, s8;
	s5 =	sadd.s32 $0x200, s2  }
0x12: {  	v0 =	vand.u32 $0x7, v2;
	v2 =	vor.u32 $0x8, v2;
	v1 =	vmul.u32 $0x8, v1;
	s8 =	simm.s32 $0x80;
	[dreg:$0x5] =	wrdreg s25;
	s25 =	simm.s32 $0x9080  }
.LBB2_1:
0x13: {  	s1 =	rddreg [dreg:$0x4]  }
0x14: {  	[tilespmem:s3], [sflag:$0x2] =	stream.linear.gather [hbm4b:s1+s3], $0x40, $0x38;
	[tilespmem:$0xC080] =	vst v63  }
0x15: {  	_ =	swait.ge [sflag:s7], $0x40  }
0x16: {  	[sflag:s7] =	ssyncset.done $0x0  }
0x17: {  	[sflag:s7] =	ssyncadd.s32 $0xFFFFFFC0  }
0x18: {  	v3 =	vld [tilespmem:$0x0];
	_ =	sdelay $0x4  }
0x19: {  	v4 =	vshrl.u32 v3, $0x3  }
0x1a: {  	v4 =	vmul.u32 $0x30, v4  }
0x1b: {  	v3 =	vand.u32 $0x7, v3  }
0x1c: {  	v3 =	vor.u32 v3, v4  }
0x1d: {  	v4 =	vperm.xlane v3, v0;
	_ =	sdelay $0x1  }
0x1e: {  	v4 =	vadd.s32 v1, v4;
	_ =	sdelay $0x3  }
0x1f: {  	v3 =	vperm.xlane v3, v2  }
0x20: {  	[tilespmem:s8], [sflag:$0x1] =	stream.indirect_vreg.gather [hbm4b:s2+s3], $0x80, v4, vm0, $0xb8;
	[tilespmem:$0xC080] =	vst v63  }
0x21: {  	s1 =	rddreg [dreg:$0x6];
	v3 =	vadd.s32 v1, v3  }
0x22: {  	[tilespmem:s1], [sflag:$0x1] =	stream.indirect_vreg.gather [hbm4b:s4+s3], $0x80, v4, vm0, $0xb8;
	[tilespmem:$0xC080] =	vst v63  }
0x23: {  	_ = 	snop  }
0x24: {  	[tilespmem:s9], [sflag:$0x1] =	stream.indirect_vreg.gather [hbm4b:s5+s3], $0x80, v4, vm0, $0xb8;
	[tilespmem:$0xC080] =	vst v63  }
0x25: {  	_ = 	snop  }
0x26: {  	[tilespmem:s10], [sflag:$0x1] =	stream.indirect_vreg.gather [hbm4b:s2+s3], $0x80, v3, vm0, $0xb8;
	[tilespmem:$0xC080] =	vst v63  }
0x27: {  	_ = 	snop  }
0x28: {  	[tilespmem:s11], [sflag:$0x1] =	stream.indirect_vreg.gather [hbm4b:s4+s3], $0x80, v3, vm0, $0xb8;
	[tilespmem:$0xC080] =	vst v63  }
0x29: {  	_ = 	snop  }
0x2a: {  	[tilespmem:s12], [sflag:$0x1] =	stream.indirect_vreg.gather [hbm4b:s5+s3], $0x80, v3, vm0, $0xb8;
	[tilespmem:$0xC080] =	vst v63  }
0x2b: {  	v3 =	vld [tilespmem:$0x10];
	_ =	sdelay $0x4  }
0x2c: {  	v61 =	vshrl.u32 v3, $0x3  }
0x2d: {  	v4 =	vmul.u32 $0x30, v61  }
0x2e: {  	v3 =	vand.u32 $0x7, v3  }
0x2f: {  	v3 =	vor.u32 v3, v4  }
0x30: {  	v4 =	vperm.xlane v3, v0;
	_ =	sdelay $0x1  }
0x31: {  	v4 =	vadd.s32 v1, v4;
	_ =	sdelay $0x3  }
0x32: {  	v3 =	vperm.xlane v3, v2  }
0x33: {  	[tilespmem:s13], [sflag:$0x1] =	stream.indirect_vreg.gather [hbm4b:s2+s3], $0x80, v4, vm0, $0xb8;
	[tilespmem:$0xC080] =	vst v63  }
0x34: {  	v3 =	vadd.s32 v1, v3  }
0x35: {  	[tilespmem:s14], [sflag:$0x1] =	stream.indirect_vreg.gather [hbm4b:s4+s3], $0x80, v4, vm0, $0xb8;
	[tilespmem:$0xC080] =	vst v63  }
0x36: {  	_ = 	snop  }
0x37: {  	[tilespmem:s15], [sflag:$0x1] =	stream.indirect_vreg.gather [hbm4b:s5+s3], $0x80, v4, vm0, $0xb8;
	[tilespmem:$0xC080] =	vst v63  }
0x38: {  	_ = 	snop  }
0x39: {  	[tilespmem:s16], [sflag:$0x1] =	stream.indirect_vreg.gather [hbm4b:s2+s3], $0x80, v3, vm0, $0xb8;
	[tilespmem:$0xC080] =	vst v63  }
0x3a: {  	_ = 	snop  }
0x3b: {  	[tilespmem:s17], [sflag:$0x1] =	stream.indirect_vreg.gather [hbm4b:s4+s3], $0x80, v3, vm0, $0xb8;
	[tilespmem:$0xC080] =	vst v63  }
0x3c: {  	_ = 	snop  }
0x3d: {  	[tilespmem:s18], [sflag:$0x1] =	stream.indirect_vreg.gather [hbm4b:s5+s3], $0x80, v3, vm0, $0xb8;
	[tilespmem:$0xC080] =	vst v63  }
0x3e: {  	v3 =	vld [tilespmem:$0x20];
	_ =	sdelay $0x4  }
0x3f: {  	v62 =	vshrl.u32 v3, $0x3  }
0x40: {  	v4 =	vmul.u32 $0x30, v62  }
0x41: {  	v3 =	vand.u32 $0x7, v3  }
0x42: {  	v3 =	vor.u32 v3, v4  }
0x43: {  	v4 =	vperm.xlane v3, v0;
	_ =	sdelay $0x1  }
0x44: {  	v4 =	vadd.s32 v1, v4;
	_ =	sdelay $0x3  }
0x45: {  	v3 =	vperm.xlane v3, v2  }
0x46: {  	[tilespmem:s19], [sflag:$0x1] =	stream.indirect_vreg.gather [hbm4b:s2+s3], $0x80, v4, vm0, $0xb8;
	[tilespmem:$0xC080] =	vst v63  }
0x47: {  	v3 =	vadd.s32 v1, v3  }
0x48: {  	[tilespmem:s20], [sflag:$0x1] =	stream.indirect_vreg.gather [hbm4b:s4+s3], $0x80, v4, vm0, $0xb8;
	[tilespmem:$0xC080] =	vst v63  }
0x49: {  	_ = 	snop  }
0x4a: {  	[tilespmem:s21], [sflag:$0x1] =	stream.indirect_vreg.gather [hbm4b:s5+s3], $0x80, v4, vm0, $0xb8;
	[tilespmem:$0xC080] =	vst v63  }
0x4b: {  	_ = 	snop  }
0x4c: {  	[tilespmem:s22], [sflag:$0x1] =	stream.indirect_vreg.gather [hbm4b:s2+s3], $0x80, v3, vm0, $0xb8;
	[tilespmem:$0xC080] =	vst v63  }
0x4d: {  	_ = 	snop  }
0x4e: {  	[tilespmem:s23], [sflag:$0x1] =	stream.indirect_vreg.gather [hbm4b:s4+s3], $0x80, v3, vm0, $0xb8;
	[tilespmem:$0xC080] =	vst v63  }
0x4f: {  	_ = 	snop  }
0x50: {  	[tilespmem:s24], [sflag:$0x1] =	stream.indirect_vreg.gather [hbm4b:s5+s3], $0x80, v3, vm0, $0xb8;
	[tilespmem:$0xC080] =	vst v63  }
0x51: {  	v3 =	vld [tilespmem:$0x30];
	_ =	sdelay $0x4  }
0x52: {  	v63 =	vshrl.u32 v3, $0x3  }
0x53: {  	v4 =	vmul.u32 $0x30, v63  }
0x54: {  	v3 =	vand.u32 $0x7, v3  }
0x55: {  	v3 =	vor.u32 v3, v4  }
0x56: {  	v4 =	vperm.xlane v3, v0;
	_ =	sdelay $0x1  }
0x57: {  	v4 =	vadd.s32 v1, v4;
	_ =	sdelay $0x3  }
0x58: {  	v3 =	vperm.xlane v3, v2  }
0x59: {  	[tilespmem:s25], [sflag:$0x1] =	stream.indirect_vreg.gather [hbm4b:s2+s3], $0x80, v4, vm0, $0xb8;
	[tilespmem:$0xC080] =	vst v63  }
0x5a: {  	v3 =	vadd.s32 v1, v3  }
0x5b: {  	[tilespmem:s26], [sflag:$0x1] =	stream.indirect_vreg.gather [hbm4b:s4+s3], $0x80, v4, vm0, $0xb8;
	[tilespmem:$0xC080] =	vst v63  }
0x5c: {  	_ = 	snop  }
0x5d: {  	[tilespmem:s28], [sflag:$0x1] =	stream.indirect_vreg.gather [hbm4b:s5+s3], $0x80, v4, vm0, $0xb8;
	[tilespmem:$0xC080] =	vst v63  }
0x5e: {  	_ = 	snop  }
0x5f: {  	[tilespmem:s29], [sflag:$0x1] =	stream.indirect_vreg.gather [hbm4b:s2+s3], $0x80, v3, vm0, $0xb8;
	[tilespmem:$0xC080] =	vst v63  }
0x60: {  	_ = 	snop  }
0x61: {  	[tilespmem:s30], [sflag:$0x1] =	stream.indirect_vreg.gather [hbm4b:s4+s3], $0x80, v3, vm0, $0xb8;
	[tilespmem:$0xC080] =	vst v63  }
0x62: {  	_ = 	snop  }
0x63: {  	[tilespmem:s31], [sflag:$0x1] =	stream.indirect_vreg.gather [hbm4b:s5+s3], $0x80, v3, vm0, $0xb8;
	[tilespmem:$0xC080] =	vst v63  }
0x64: {  	_ =	swait.ge [sflag:s0], $0xC000  }
0x65: {  	p0 =	sne.s32 s6, $0x1;
	[sflag:s0] =	ssyncset.done $0x0  }
.Ltmp0:
0x66: {  	s1 =	rddreg [dreg:$0x5];
	[sflag:s0] =	ssyncadd.s32 $0xFFFF4000;
	(pc) =	sbr.rel @p0 .LBB2_1-.Ltmp0, $4  }
0x67: {  	[hbm4b:s1+s3] =	stream.linear.scatter [tilespmem:s8], [sflag:$0x2], $0xC000, $0x38;
	[tilespmem:$0xC080] =	vst v63  }
0x68: {  	_ =	swait.ge [sflag:s7], $0xC000  }
0x69: {  	[sflag:s7] =	ssyncset.done $0x0  }
0x6a: {  	s6 =	sadd.s32 $0xFFFFFFFF, s6;
	[sflag:s7] =	ssyncadd.s32 $0xFFFF4000  }
0x6b: {  	_ =	sfence.sel $0x180000  }
0x6c: {  	[bflag:$0x0] =	sbarrier.arrive $0xFFFF  }
0x6d: {  	_ =	strace $0x90000047  }
0x6e: {  	s0 =	stileid.u32;
	[bflag:$0x2] =	sbarrier.arrive $0xFFFF  }
0x6f: {  	p0 =	sne.s32 s0, $0x0;
	s0 =	rddreg [dreg:$0x3]  }
0x70: {  	s0 =	sadd.s32 @!p0 $0x100000, s0  }
0x71: {  	[sflag:s0] =	ssyncadd.tile.s32 @!p0 $0x1;
	_ =	shalt  }
.Lfunc_end2:
_tile_overlayer_lowered:
.L_overlay_start_2:
0x72: {  	(tag) =	ssettag $0x2  }
0x73: {  	s0 =	rddreg [dreg:$0x0];
	s2 =	stileid.u32  }
0x74: {  	s1 =	rddreg [dreg:$0x1];
	p0 =	sne.s32 s2, $0x0  }
0x75: {  	s3 =	rddreg [dreg:$0x2];
	[bflag:$0x3] =	sbarrier.arrive $0xFFFF;
	s2 =	simm.s32 @!p0 $0x1C02  }
0x76: {  	[timem:s3], [sflag:s2] =	dma.local @!p0 [hbm:s0], s1  }
0x77: {  	s0 =	simm.s32 @!p0 $0x2  }
0x78: {  	_ =	swait.ge @!p0 [sflag:s0], s1  }
0x79: {  	s1 =	ssub.s32 @!p0 $0x0, s1;
	[sflag:s0] =	ssyncset.done @!p0 $0x0  }
0x7a: {  	[sflag:s0] =	ssyncadd.s32 @!p0 s1  }
0x7b: {  	[bflag:$0x3] =	sbarrier.arrive $0xFFFF  }
0x7c: {  	_ =	shalt  }

</sc_bundles>
